<compile_context>
chip_gen: v7x
topology: tpu7x:2x2x1
jax: 0.10.2.dev20260603
libtpu: 0.0.44.dev20260713+nightly
codegen_flags: <defaults>
</compile_context>

<pallas_src>
import functools

import jax
import jax.numpy as jnp
from jax import lax
from jax.experimental import pallas as pl
from jax.experimental.pallas import tpu as pltpu
from jax.experimental.pallas import tpu_sc as plsc

_SC_CORES = 2
_SC_SUBCORES = 16
_SC_LANES = 16
_NW = _SC_CORES * _SC_SUBCORES

_S_TILE = 256
_G_CHUNK = 1024


def _tc_body(as_ref, sb_ref, gt_ref, gb_ref, f_ref, w1_ref, b1_ref, w2_ref,
             b2_ref, idx_ref, tab_ref):
  n_graph = gt_ref.shape[1]
  n_pad_total = f_ref.shape[0] * pl.num_programs(0)

  a = as_ref[...]
  sx, sy, sz = a[:, 0:1], a[:, 1:2], a[:, 2:3]
  s2 = (sx * sx + sz * sz) + sy * sy
  sb = sb_ref[...]
  gb = gb_ref[...]
  gt = gt_ref[...]
  gx, gy, gz = gt[0:1, :], gt[1:2, :], gt[2:3, :]
  g2_full = (gx * gx + gz * gz) + gy * gy

  minval = jnp.full((_S_TILE, 1), jnp.inf, dtype=jnp.float32)
  minidx = jnp.full((_S_TILE, 1), n_graph, dtype=jnp.int32)
  for c in range(n_graph // _G_CHUNK):
    gc = gt[:, c * _G_CHUNK:(c + 1) * _G_CHUNK]
    g2 = g2_full[:, c * _G_CHUNK:(c + 1) * _G_CHUNK]
    cross = lax.dot_general(
        a, gc, (((1,), (0,)), ((), ())),
        preferred_element_type=jnp.float32,
        precision=lax.Precision.DEFAULT)
    d2 = s2 + g2 - 2.0 * cross
    same = sb == gb[:, c * _G_CHUNK:(c + 1) * _G_CHUNK]
    dm = jnp.where(same, d2, jnp.inf)
    mv = jnp.min(dm, axis=1, keepdims=True)
    iota = lax.broadcasted_iota(jnp.int32, (_S_TILE, _G_CHUNK), 1)
    iv = jnp.min(jnp.where(dm == mv, iota + c * _G_CHUNK, n_pad_total),
                 axis=1, keepdims=True)
    qmv = lax.bitcast_convert_type(
        lax.bitcast_convert_type(mv, jnp.int32) & jnp.int32(-65536),
        jnp.float32)
    qmin = lax.bitcast_convert_type(
        lax.bitcast_convert_type(minval, jnp.int32) & jnp.int32(-65536),
        jnp.float32)
    upd = qmv < qmin
    minval = jnp.where(upd, mv, minval)
    minidx = jnp.where(upd, iv, minidx)
  idx_ref[...] = minidx

  f = f_ref[...]
  h = lax.dot_general(
      f, w1_ref[...], (((1,), (0,)), ((), ())),
      preferred_element_type=jnp.float32,
      precision=lax.Precision.DEFAULT)
  h = jnp.maximum(h + b1_ref[...], 0.0)
  o = lax.dot_general(
      h, w2_ref[...], (((1,), (0,)), ((), ())),
      preferred_element_type=jnp.float32,
      precision=lax.Precision.DEFAULT)
  tab_ref[...] = o + b2_ref[...]


def _sc_gather(n_surf, n_tab):
  rows = n_surf // 128
  r_per_w = rows // _NW
  mesh = plsc.VectorSubcoreMesh(core_axis_name="c", subcore_axis_name="s")

  @functools.partial(
      pl.kernel,
      mesh=mesh,
      out_type=jax.ShapeDtypeStruct((rows, 128), jnp.float32),
      scratch_types=[
          pltpu.VMEM((r_per_w, 128), jnp.int32),
          pltpu.VMEM((r_per_w, 128), jnp.float32),
          pltpu.SemaphoreType.DMA,
      ],
  )
  def k(table_hbm, idx_hbm, out_hbm, idx_v, out_v, sem):
    wid = lax.axis_index("s") * _SC_CORES + lax.axis_index("c")
    base = wid * r_per_w
    pltpu.sync_copy(idx_hbm.at[pl.ds(base, r_per_w)], idx_v)
    copies = [pltpu.async_copy(table_hbm.at[idx_v.at[j]], out_v.at[j], sem)
              for j in range(r_per_w)]
    for c in copies:
      c.wait()
    pltpu.sync_copy(out_v, out_hbm.at[pl.ds(base, r_per_w)])

  return k


def kernel(graph_features, graph_pos, surface_pos, surface_batch, graph_batch,
           W1, b1, W2, b2):
  n_surf = surface_pos.shape[0]
  n_graph, d_feat = graph_features.shape
  d_hid = W1.shape[1]
  n_tiles = n_surf // _S_TILE

  f_tile = (n_graph // n_tiles) + 8
  n_pad = f_tile * n_tiles
  f_pad = jnp.concatenate(
      [graph_features,
       jnp.zeros((n_pad - n_graph, d_feat), jnp.float32)], axis=0)

  a_s = jnp.concatenate(
      [surface_pos, jnp.zeros((n_surf, 5), jnp.float32)], axis=1)
  g_t = jnp.concatenate(
      [graph_pos.T, jnp.zeros((5, n_graph), jnp.float32)], axis=0)
  sb_c = surface_batch.astype(jnp.float32).reshape(n_surf, 1)
  gb_r = graph_batch.astype(jnp.float32).reshape(1, n_graph)

  nearest, table = pl.pallas_call(
      _tc_body,
      grid=(n_tiles,),
      in_specs=[
          pl.BlockSpec((_S_TILE, 8), lambda i: (i, 0)),
          pl.BlockSpec((_S_TILE, 1), lambda i: (i, 0)),
          pl.BlockSpec((8, n_graph), lambda i: (0, 0)),
          pl.BlockSpec((1, n_graph), lambda i: (0, 0)),
          pl.BlockSpec((f_tile, d_feat), lambda i: (i, 0)),
          pl.BlockSpec((d_feat, d_hid), lambda i: (0, 0)),
          pl.BlockSpec((1, d_hid), lambda i: (0, 0)),
          pl.BlockSpec((d_hid, 1), lambda i: (0, 0)),
          pl.BlockSpec((1, 1), lambda i: (0, 0)),
      ],
      out_specs=[
          pl.BlockSpec((_S_TILE, 1), lambda i: (i, 0)),
          pl.BlockSpec((f_tile, 1), lambda i: (i, 0)),
      ],
      out_shape=[
          jax.ShapeDtypeStruct((n_surf, 1), jnp.int32),
          jax.ShapeDtypeStruct((n_pad, 1), jnp.float32),
      ],
  )(a_s, sb_c, g_t, gb_r, f_pad, W1, b1.reshape(1, d_hid),
    W2, b2.reshape(1, 1))

  out = _sc_gather(n_surf, n_pad)(table.reshape(n_pad),
                                  nearest.reshape(n_surf // 128, 128))
  return out.reshape(n_surf, 1)

# --- scband reference (transcript-rebuilt; emitter-appended) ---
"""Pipeline reference for scband-graph-only-masif-site-wrapper-51908974739857 (READ-ONLY COPY).

The authoritative reference and input builder live on the scoring server;
editing this copy changes nothing except your own understanding.
"""

import jax, jax.numpy as jnp
import numpy as np

N_GRAPH = 4096
N_SURF = 8192
D_FEAT = 128
D_HID = 64
N_BATCH = 8

def setup_inputs(seed: int = 0) -> dict:
    key = jax.random.key(seed)
    ks = jax.random.split(key, 8)
    graph_features = jax.random.normal(ks[0], (N_GRAPH, D_FEAT), dtype=jnp.float32)
    graph_pos = jax.random.normal(ks[1], (N_GRAPH, 3), dtype=jnp.float32)
    surface_pos = jax.random.normal(ks[2], (N_SURF, 3), dtype=jnp.float32)
    surface_batch = jnp.sort(jax.random.randint(ks[3], (N_SURF,), 0, N_BATCH)).astype(jnp.int64)
    graph_batch = jnp.sort(jax.random.randint(ks[4], (N_GRAPH,), 0, N_BATCH)).astype(jnp.int64)
    # top_net (MasifSiteNet head): Linear(D_FEAT->D_HID) + ReLU + Linear(D_HID->1)
    W1 = jax.random.normal(ks[5], (D_FEAT, D_HID), dtype=jnp.float32) * 0.05
    b1 = jnp.zeros((D_HID,), dtype=jnp.float32)
    W2 = jax.random.normal(ks[6], (D_HID, 1), dtype=jnp.float32) * 0.05
    b2 = jnp.zeros((1,), dtype=jnp.float32)
    return {
        "graph_features": graph_features,
        "graph_pos": graph_pos,
        "surface_pos": surface_pos,
        "surface_batch": surface_batch,
        "graph_batch": graph_batch,
        "W1": W1, "b1": b1, "W2": W2, "b2": b2,
    }


def reference(graph_features, graph_pos, surface_pos, surface_batch, graph_batch, W1, b1, W2, b2):
    # _map_graph_to_surface: per-protein nearest-neighbor mapping, vectorized
    # by masking cross-batch pairs with +inf instead of a Python loop.
    s2 = jnp.sum(surface_pos * surface_pos, axis=1, keepdims=True)          # [N_surf, 1]
    g2 = jnp.sum(graph_pos * graph_pos, axis=1)[None, :]                     # [1, N_graph]
    d2 = s2 + g2 - 2.0 * (surface_pos @ graph_pos.T)                         # squared cdist
    same_protein = surface_batch[:, None] == graph_batch[None, :]            # [N_surf, N_graph]
    d2_masked = jnp.where(same_protein, d2, jnp.inf)
    nearest = jnp.argmin(d2_masked, axis=1)                                  # [N_surf]
    mapped = jnp.take(graph_features, nearest, axis=0)                       # gather [N_surf, D]
    has_match = jnp.any(same_protein, axis=1)                                # zeros if no graph nodes
    mapped = jnp.where(has_match[:, None], mapped, 0.0)
    # top_net on the mapped surface features
    h = jax.nn.relu(mapped @ W1 + b1)
    out = h @ W2 + b2                                                        # [N_surf, 1]
    return out

if __name__ == "__main__":
    import jax
    _d = setup_inputs()
    print(jax.jit(kernel)(*tuple(_d.values())))

</pallas_src>

<mosaic_0001>
#map = affine_map<(d0, d1) -> (0)>
#map1 = affine_map<(d0, d1) -> (0, 0)>
module attributes {stable_mosaic.version = 14 : i64} {
  func.func @k(%arg0: i32, %arg1: i32, %arg2: memref<4352xf32, #tpu.memory_space<hbm>>, %arg3: memref<64x128xi32, #tpu.memory_space<hbm>>, %arg4: memref<64x128xf32, #tpu.memory_space<hbm>>, %arg5: memref<2x128xi32, #tpu.memory_space<vmem>>, %arg6: memref<2x128xf32, #tpu.memory_space<vmem>>, %arg7: memref<!tpu.dma_semaphore, #tpu.memory_space<semaphore_mem>>) attributes {dimension_semantics = [#tpu.dimension_semantics<core_parallel>, #tpu.dimension_semantics<subcore_parallel>], iteration_bounds = array<i64: 2, 16>, scalar_prefetch = 0 : i64, scratch_operands = 3 : i64, tpu.core_type = #tpu.core_type<sc_vector_subcore>, window_params = [{transform_indices = #map}, {transform_indices = #map1}, {transform_indices = #map1}]} {
    %mul3A = arith.constant 2 : i32
    %mul3A_0 = arith.muli %arg1, %mul3A : i32
    %add3A = arith.addi %mul3A_0, %arg0 : i32
    %mul3A_1 = arith.constant 2 : i32
    %mul3A_2 = arith.muli %add3A, %mul3A_1 : i32
    "tpu.region"() ({
      %run_scoped3A = tpu.sem_alloc : memref<!tpu.dma_semaphore, #tpu.memory_space<semaphore_mem>>
      %dma_start3A_41 = arith.constant 0 : i32
      %dma_start3A_42 = tpu.memref_slice %arg3[%mul3A_2, %dma_start3A_41] : memref<64x128xi32, #tpu.memory_space<hbm>> -> memref<2x128xi32, #tpu.memory_space<hbm>>
      %dma_start3A_43 = arith.constant 0 : i32
      %dma_start3A_44 = tpu.memref_slice %arg3[%mul3A_2, %dma_start3A_43] : memref<64x128xi32, #tpu.memory_space<hbm>> -> memref<2x128xi32, #tpu.memory_space<hbm>>
      tpu.enqueue_dma source(%dma_start3A_44 : memref<2x128xi32, #tpu.memory_space<hbm>>) target(%arg5 : memref<2x128xi32, #tpu.memory_space<vmem>>) target_semaphore(%run_scoped3A : memref<!tpu.dma_semaphore, #tpu.memory_space<semaphore_mem>>)
      %dma_wait3A_45 = arith.constant 0 : i32
      %dma_wait3A_46 = tpu.memref_slice %arg3[%mul3A_2, %dma_wait3A_45] : memref<64x128xi32, #tpu.memory_space<hbm>> -> memref<2x128xi32, #tpu.memory_space<hbm>>
      %dma_wait3A_47 = arith.constant 0 : i32
      %dma_wait3A_48 = tpu.memref_slice %arg3[%mul3A_2, %dma_wait3A_47] : memref<64x128xi32, #tpu.memory_space<hbm>> -> memref<2x128xi32, #tpu.memory_space<hbm>>
      tpu.wait_dma2 semaphore(%run_scoped3A : memref<!tpu.dma_semaphore, #tpu.memory_space<semaphore_mem>>) src(%dma_wait3A_48 : memref<2x128xi32, #tpu.memory_space<hbm>>) dst(%arg5 : memref<2x128xi32, #tpu.memory_space<vmem>>)
      tpu.yield
    }) : () -> ()
    %dma_start3A = arith.constant 0 : i32
    %dma_start3A_3 = arith.constant 0 : i32
    %dma_start3A_4 = arith.constant 0 : i32
    %dma_start3A_5 = tpu.memref_slice %arg6[%dma_start3A_3, %dma_start3A_4] : memref<2x128xf32, #tpu.memory_space<vmem>> -> memref<1x128xf32, #tpu.memory_space<vmem>>
    %dma_start3A_6 = tpu.memref_squeeze %dma_start3A_5 : memref<1x128xf32, #tpu.memory_space<vmem>> -> memref<128xf32, #tpu.memory_space<vmem>>
    %dma_start3A_7 = arith.constant 0 : i32
    %dma_start3A_8 = tpu.memref_slice %arg5[%dma_start3A, %dma_start3A_7] : memref<2x128xi32, #tpu.memory_space<vmem>> -> memref<1x128xi32, #tpu.memory_space<vmem>>
    %dma_start3A_9 = tpu.memref_squeeze %dma_start3A_8 : memref<1x128xi32, #tpu.memory_space<vmem>> -> memref<128xi32, #tpu.memory_space<vmem>>
    %dma_start3A_10 = arith.constant 0 : i32
    %dma_start3A_11 = tpu.memref_slice %arg2[%dma_start3A_10] : memref<4352xf32, #tpu.memory_space<hbm>> -> memref<4352xf32, #tpu.memory_space<hbm>>
    tpu.enqueue_indirect_dma source(%dma_start3A_11 : memref<4352xf32, #tpu.memory_space<hbm>>) target(%dma_start3A_6 : memref<128xf32, #tpu.memory_space<vmem>>) offsets(%dma_start3A_9 : memref<128xi32, #tpu.memory_space<vmem>>) semaphore(%arg7 : memref<!tpu.dma_semaphore, #tpu.memory_space<semaphore_mem>>)
    %dma_start3A_12 = arith.constant 1 : i32
    %dma_start3A_13 = arith.constant 1 : i32
    %dma_start3A_14 = arith.constant 0 : i32
    %dma_start3A_15 = tpu.memref_slice %arg6[%dma_start3A_13, %dma_start3A_14] : memref<2x128xf32, #tpu.memory_space<vmem>> -> memref<1x128xf32, #tpu.memory_space<vmem>>
    %dma_start3A_16 = tpu.memref_squeeze %dma_start3A_15 : memref<1x128xf32, #tpu.memory_space<vmem>> -> memref<128xf32, #tpu.memory_space<vmem>>
    %dma_start3A_17 = arith.constant 0 : i32
    %dma_start3A_18 = tpu.memref_slice %arg5[%dma_start3A_12, %dma_start3A_17] : memref<2x128xi32, #tpu.memory_space<vmem>> -> memref<1x128xi32, #tpu.memory_space<vmem>>
    %dma_start3A_19 = tpu.memref_squeeze %dma_start3A_18 : memref<1x128xi32, #tpu.memory_space<vmem>> -> memref<128xi32, #tpu.memory_space<vmem>>
    %dma_start3A_20 = arith.constant 0 : i32
    %dma_start3A_21 = tpu.memref_slice %arg2[%dma_start3A_20] : memref<4352xf32, #tpu.memory_space<hbm>> -> memref<4352xf32, #tpu.memory_space<hbm>>
    tpu.enqueue_indirect_dma source(%dma_start3A_21 : memref<4352xf32, #tpu.memory_space<hbm>>) target(%dma_start3A_16 : memref<128xf32, #tpu.memory_space<vmem>>) offsets(%dma_start3A_19 : memref<128xi32, #tpu.memory_space<vmem>>) semaphore(%arg7 : memref<!tpu.dma_semaphore, #tpu.memory_space<semaphore_mem>>)
    %dma_wait3A = arith.constant 0 : i32
    %dma_wait3A_22 = arith.constant 0 : i32
    %dma_wait3A_23 = arith.constant 0 : i32
    %dma_wait3A_24 = tpu.memref_slice %arg6[%dma_wait3A_22, %dma_wait3A_23] : memref<2x128xf32, #tpu.memory_space<vmem>> -> memref<1x128xf32, #tpu.memory_space<vmem>>
    %dma_wait3A_25 = tpu.memref_squeeze %dma_wait3A_24 : memref<1x128xf32, #tpu.memory_space<vmem>> -> memref<128xf32, #tpu.memory_space<vmem>>
    %dma_wait3A_26 = arith.constant 0 : i32
    %dma_wait3A_27 = tpu.memref_slice %arg5[%dma_wait3A, %dma_wait3A_26] : memref<2x128xi32, #tpu.memory_space<vmem>> -> memref<1x128xi32, #tpu.memory_space<vmem>>
    %dma_wait3A_28 = tpu.memref_squeeze %dma_wait3A_27 : memref<1x128xi32, #tpu.memory_space<vmem>> -> memref<128xi32, #tpu.memory_space<vmem>>
    %dma_wait3A_29 = arith.constant 0 : i32
    %dma_wait3A_30 = tpu.memref_slice %arg2[%dma_wait3A_29] : memref<4352xf32, #tpu.memory_space<hbm>> -> memref<4352xf32, #tpu.memory_space<hbm>>
    tpu.wait_indirect_dma semaphore(%arg7 : memref<!tpu.dma_semaphore, #tpu.memory_space<semaphore_mem>>) src(%dma_wait3A_30 : memref<4352xf32, #tpu.memory_space<hbm>>) dst(%dma_wait3A_25 : memref<128xf32, #tpu.memory_space<vmem>>)
    %dma_wait3A_31 = arith.constant 1 : i32
    %dma_wait3A_32 = arith.constant 1 : i32
    %dma_wait3A_33 = arith.constant 0 : i32
    %dma_wait3A_34 = tpu.memref_slice %arg6[%dma_wait3A_32, %dma_wait3A_33] : memref<2x128xf32, #tpu.memory_space<vmem>> -> memref<1x128xf32, #tpu.memory_space<vmem>>
    %dma_wait3A_35 = tpu.memref_squeeze %dma_wait3A_34 : memref<1x128xf32, #tpu.memory_space<vmem>> -> memref<128xf32, #tpu.memory_space<vmem>>
    %dma_wait3A_36 = arith.constant 0 : i32
    %dma_wait3A_37 = tpu.memref_slice %arg5[%dma_wait3A_31, %dma_wait3A_36] : memref<2x128xi32, #tpu.memory_space<vmem>> -> memref<1x128xi32, #tpu.memory_space<vmem>>
    %dma_wait3A_38 = tpu.memref_squeeze %dma_wait3A_37 : memref<1x128xi32, #tpu.memory_space<vmem>> -> memref<128xi32, #tpu.memory_space<vmem>>
    %dma_wait3A_39 = arith.constant 0 : i32
    %dma_wait3A_40 = tpu.memref_slice %arg2[%dma_wait3A_39] : memref<4352xf32, #tpu.memory_space<hbm>> -> memref<4352xf32, #tpu.memory_space<hbm>>
    tpu.wait_indirect_dma semaphore(%arg7 : memref<!tpu.dma_semaphore, #tpu.memory_space<semaphore_mem>>) src(%dma_wait3A_40 : memref<4352xf32, #tpu.memory_space<hbm>>) dst(%dma_wait3A_35 : memref<128xf32, #tpu.memory_space<vmem>>)
    "tpu.region"() ({
      %run_scoped3A = tpu.sem_alloc : memref<!tpu.dma_semaphore, #tpu.memory_space<semaphore_mem>>
      %dma_start3A_41 = arith.constant 0 : i32
      %dma_start3A_42 = tpu.memref_slice %arg4[%mul3A_2, %dma_start3A_41] : memref<64x128xf32, #tpu.memory_space<hbm>> -> memref<2x128xf32, #tpu.memory_space<hbm>>
      %dma_start3A_43 = arith.constant 0 : i32
      %dma_start3A_44 = tpu.memref_slice %arg4[%mul3A_2, %dma_start3A_43] : memref<64x128xf32, #tpu.memory_space<hbm>> -> memref<2x128xf32, #tpu.memory_space<hbm>>
      tpu.enqueue_dma source(%arg6 : memref<2x128xf32, #tpu.memory_space<vmem>>) target(%dma_start3A_44 : memref<2x128xf32, #tpu.memory_space<hbm>>) target_semaphore(%run_scoped3A : memref<!tpu.dma_semaphore, #tpu.memory_space<semaphore_mem>>)
      %dma_wait3A_45 = arith.constant 0 : i32
      %dma_wait3A_46 = tpu.memref_slice %arg4[%mul3A_2, %dma_wait3A_45] : memref<64x128xf32, #tpu.memory_space<hbm>> -> memref<2x128xf32, #tpu.memory_space<hbm>>
      %dma_wait3A_47 = arith.constant 0 : i32
      %dma_wait3A_48 = tpu.memref_slice %arg4[%mul3A_2, %dma_wait3A_47] : memref<64x128xf32, #tpu.memory_space<hbm>> -> memref<2x128xf32, #tpu.memory_space<hbm>>
      tpu.wait_dma2 semaphore(%run_scoped3A : memref<!tpu.dma_semaphore, #tpu.memory_space<semaphore_mem>>) src(%arg6 : memref<2x128xf32, #tpu.memory_space<vmem>>) dst(%dma_wait3A_48 : memref<2x128xf32, #tpu.memory_space<hbm>>)
      tpu.yield
    }) : () -> ()
    return
  }
}

module attributes {stable_mosaic.version = 14 : i64} {
  func.func @_tc_body(%arg0: i32, %arg1: memref<256x8xf32, #tpu.memory_space<vmem>>, %arg2: memref<256x1xf32, #tpu.memory_space<vmem>>, %arg3: memref<8x4096xf32, #tpu.memory_space<vmem>>, %arg4: memref<1x4096xf32, #tpu.memory_space<vmem>>, %arg5: memref<136x128xf32, #tpu.memory_space<vmem>>, %arg6: memref<128x64xf32, #tpu.memory_space<vmem>>, %arg7: memref<1x64xf32, #tpu.memory_space<vmem>>, %arg8: memref<64x1xf32, #tpu.memory_space<vmem>>, %arg9: memref<1x1xf32, #tpu.memory_space<vmem>>, %arg10: memref<256x1xi32, #tpu.memory_space<vmem>>, %arg11: memref<136x1xf32, #tpu.memory_space<vmem>>) attributes {dimension_semantics = [#tpu.dimension_semantics<arbitrary>], iteration_bounds = array<i64: 32>, scalar_prefetch = 0 : i64, scratch_operands = 0 : i64, tpu.core_type = #tpu.core_type<tc>, window_params = [{transform_indices = @transform_0, window_bounds = array<i64: 256, 8>}, {transform_indices = @transform_1, window_bounds = array<i64: 256, 1>}, {pipeline_mode = #tpu.pipeline_mode<synchronous>, transform_indices = @transform_2, window_bounds = array<i64: 8, 4096>}, {pipeline_mode = #tpu.pipeline_mode<synchronous>, transform_indices = @transform_3, window_bounds = array<i64: 1, 4096>}, {transform_indices = @transform_4, window_bounds = array<i64: 136, 128>}, {pipeline_mode = #tpu.pipeline_mode<synchronous>, transform_indices = @transform_5, window_bounds = array<i64: 128, 64>}, {pipeline_mode = #tpu.pipeline_mode<synchronous>, transform_indices = @transform_6, window_bounds = array<i64: 1, 64>}, {pipeline_mode = #tpu.pipeline_mode<synchronous>, transform_indices = @transform_7, window_bounds = array<i64: 64, 1>}, {pipeline_mode = #tpu.pipeline_mode<synchronous>, transform_indices = @transform_8, window_bounds = array<i64: 1, 1>}, {transform_indices = @transform_9, window_bounds = array<i64: 256, 1>}, {transform_indices = @transform_10, window_bounds = array<i64: 136, 1>}]} {
    %get3A = arith.constant 0 : index
    %get3A_0 = arith.constant 0 : index
    %get3A_1 = vector.load %arg1[%get3A, %get3A_0] : memref<256x8xf32, #tpu.memory_space<vmem>>, vector<256x8xf32>
    %slice3A = vector.extract_strided_slice %get3A_1 {offsets = [0, 0], sizes = [256, 1], strides = [1, 1]} : vector<256x8xf32> to vector<256x1xf32>
    %slice3A_2 = vector.extract_strided_slice %get3A_1 {offsets = [0, 1], sizes = [256, 1], strides = [1, 1]} : vector<256x8xf32> to vector<256x1xf32>
    %slice3A_3 = vector.extract_strided_slice %get3A_1 {offsets = [0, 2], sizes = [256, 1], strides = [1, 1]} : vector<256x8xf32> to vector<256x1xf32>
    %mul3A = arith.mulf %slice3A, %slice3A : vector<256x1xf32>
    %mul3A_4 = arith.mulf %slice3A_3, %slice3A_3 : vector<256x1xf32>
    %add3A = arith.addf %mul3A, %mul3A_4 : vector<256x1xf32>
    %mul3A_5 = arith.mulf %slice3A_2, %slice3A_2 : vector<256x1xf32>
    %add3A_6 = arith.addf %add3A, %mul3A_5 : vector<256x1xf32>
    %get3A_7 = arith.constant 0 : index
    %get3A_8 = arith.constant 0 : index
    %get3A_9 = vector.load %arg2[%get3A_7, %get3A_8] : memref<256x1xf32, #tpu.memory_space<vmem>>, vector<256x1xf32>
    %get3A_10 = arith.constant 0 : index
    %get3A_11 = arith.constant 0 : index
    %get3A_12 = vector.load %arg4[%get3A_10, %get3A_11] : memref<1x4096xf32, #tpu.memory_space<vmem>>, vector<1x4096xf32>
    %get3A_13 = arith.constant 0 : index
    %get3A_14 = arith.constant 0 : index
    %get3A_15 = vector.load %arg3[%get3A_13, %get3A_14] : memref<8x4096xf32, #tpu.memory_space<vmem>>, vector<8x4096xf32>
    %slice3A_16 = vector.extract_strided_slice %get3A_15 {offsets = [0, 0], sizes = [1, 4096], strides = [1, 1]} : vector<8x4096xf32> to vector<1x4096xf32>
    %slice3A_17 = vector.extract_strided_slice %get3A_15 {offsets = [1, 0], sizes = [1, 4096], strides = [1, 1]} : vector<8x4096xf32> to vector<1x4096xf32>
    %slice3A_18 = vector.extract_strided_slice %get3A_15 {offsets = [2, 0], sizes = [1, 4096], strides = [1, 1]} : vector<8x4096xf32> to vector<1x4096xf32>
    %mul3A_19 = arith.mulf %slice3A_16, %slice3A_16 : vector<1x4096xf32>
    %mul3A_20 = arith.mulf %slice3A_18, %slice3A_18 : vector<1x4096xf32>
    %add3A_21 = arith.addf %mul3A_19, %mul3A_20 : vector<1x4096xf32>
    %mul3A_22 = arith.mulf %slice3A_17, %slice3A_17 : vector<1x4096xf32>
    %add3A_23 = arith.addf %add3A_21, %mul3A_22 : vector<1x4096xf32>
    %broadcast_in_dim3A = arith.constant 0x7F800000 : f32
    %broadcast_in_dim3A_24 = vector.broadcast %broadcast_in_dim3A : f32 to vector<256x1xf32>
    %broadcast_in_dim3A_25 = arith.constant 4096 : i32
    %broadcast_in_dim3A_26 = vector.broadcast %broadcast_in_dim3A_25 : i32 to vector<256x1xi32>
    %slice3A_27 = vector.extract_strided_slice %get3A_15 {offsets = [0, 0], sizes = [8, 1024], strides = [1, 1]} : vector<8x4096xf32> to vector<8x1024xf32>
    %slice3A_28 = vector.extract_strided_slice %add3A_23 {offsets = [0, 0], sizes = [1, 1024], strides = [1, 1]} : vector<1x4096xf32> to vector<1x1024xf32>
    %dot_general3A = arith.constant dense<0.000000e+00> : vector<256x1024xf32>
    %dot_general3A_29 = tpu.matmul %get3A_1, %slice3A_27, %dot_general3A {dimension_numbers = #tpu.dot_dimension_numbers<[1], [0], [0], [1], [0, 0, 1, 1], [], []>, transpose_lhs_hint = false} : vector<256x8xf32>, vector<8x1024xf32>, vector<256x1024xf32> -> vector<256x1024xf32>
    %add3A_30 = vector.broadcast %add3A_6 : vector<256x1xf32> to vector<256x1024xf32>
    %add3A_31 = vector.broadcast %slice3A_28 : vector<1x1024xf32> to vector<256x1024xf32>
    %add3A_32 = arith.addf %add3A_30, %add3A_31 : vector<256x1024xf32>
    %mul3A_33 = arith.constant 2.000000e+00 : f32
    %mul3A_34 = vector.broadcast %mul3A_33 : f32 to vector<256x1024xf32>
    %mul3A_35 = arith.mulf %mul3A_34, %dot_general3A_29 : vector<256x1024xf32>
    %sub3A = arith.subf %add3A_32, %mul3A_35 : vector<256x1024xf32>
    %slice3A_36 = vector.extract_strided_slice %get3A_12 {offsets = [0, 0], sizes = [1, 1024], strides = [1, 1]} : vector<1x4096xf32> to vector<1x1024xf32>
    %eq3A = vector.broadcast %get3A_9 : vector<256x1xf32> to vector<256x1024xf32>
    %eq3A_37 = vector.broadcast %slice3A_36 : vector<1x1024xf32> to vector<256x1024xf32>
    %eq3A_38 = arith.cmpf oeq, %eq3A, %eq3A_37 : vector<256x1024xf32>
    %jit3A = arith.constant 0x7F800000 : f32
    %broadcast_in_dim3A_39 = vector.broadcast %jit3A : f32 to vector<256x1024xf32>
    %select_n3A = arith.select %eq3A_38, %sub3A, %broadcast_in_dim3A_39 : vector<256x1024xi1>, vector<256x1024xf32>
    %reduce_min3A = arith.constant dense<0x7F800000> : vector<256xf32>
    %reduce_min3A_40 = vector.multi_reduction <minimumf>, %select_n3A, %reduce_min3A [1] : vector<256x1024xf32> to vector<256xf32>
    %broadcast_in_dim3A_41 = vector.shape_cast %reduce_min3A_40 : vector<256xf32> to vector<256x1xf32>
    %iota3A = tpu.iota {dimensions = array<i32: 1>} : vector<256x1024xi32>
    %eq3A_42 = vector.broadcast %broadcast_in_dim3A_41 : vector<256x1xf32> to vector<256x1024xf32>
    %eq3A_43 = arith.cmpf oeq, %select_n3A, %eq3A_42 : vector<256x1024xf32>
    %add3A_44 = arith.constant 0 : i32
    %add3A_45 = vector.broadcast %add3A_44 : i32 to vector<256x1024xi32>
    %add3A_46 = arith.addi %iota3A, %add3A_45 : vector<256x1024xi32>
    %jit3A_47 = arith.constant 4352 : i32
    %broadcast_in_dim3A_48 = vector.broadcast %jit3A_47 : i32 to vector<256x1024xi32>
    %select_n3A_49 = arith.select %eq3A_43, %add3A_46, %broadcast_in_dim3A_48 : vector<256x1024xi1>, vector<256x1024xi32>
    %reduce_min3A_50 = arith.constant dense<2147483647> : vector<256xi32>
    %reduce_min3A_51 = vector.multi_reduction <minsi>, %select_n3A_49, %reduce_min3A_50 [1] : vector<256x1024xi32> to vector<256xi32>
    %broadcast_in_dim3A_52 = vector.shape_cast %reduce_min3A_51 : vector<256xi32> to vector<256x1xi32>
    %bitcast_convert_type3A = tpu.bitcast %broadcast_in_dim3A_41 : vector<256x1xf32> -> vector<256x1xi32>
    %and3A = arith.constant -65536 : i32
    %and3A_53 = vector.broadcast %and3A : i32 to vector<256x1xi32>
    %and3A_54 = arith.andi %bitcast_convert_type3A, %and3A_53 : vector<256x1xi32>
    %bitcast_convert_type3A_55 = tpu.bitcast %and3A_54 : vector<256x1xi32> -> vector<256x1xf32>
    %bitcast_convert_type3A_56 = tpu.bitcast %broadcast_in_dim3A_24 : vector<256x1xf32> -> vector<256x1xi32>
    %and3A_57 = arith.constant -65536 : i32
    %and3A_58 = vector.broadcast %and3A_57 : i32 to vector<256x1xi32>
    %and3A_59 = arith.andi %bitcast_convert_type3A_56, %and3A_58 : vector<256x1xi32>
    %bitcast_convert_type3A_60 = tpu.bitcast %and3A_59 : vector<256x1xi32> -> vector<256x1xf32>
    %lt3A = arith.cmpf olt, %bitcast_convert_type3A_55, %bitcast_convert_type3A_60 : vector<256x1xf32>
    %select_n3A_61 = arith.select %lt3A, %broadcast_in_dim3A_41, %broadcast_in_dim3A_24 : vector<256x1xi1>, vector<256x1xf32>
    %select_n3A_62 = arith.select %lt3A, %broadcast_in_dim3A_52, %broadcast_in_dim3A_26 : vector<256x1xi1>, vector<256x1xi32>
    %slice3A_63 = vector.extract_strided_slice %get3A_15 {offsets = [0, 1024], sizes = [8, 1024], strides = [1, 1]} : vector<8x4096xf32> to vector<8x1024xf32>
    %slice3A_64 = vector.extract_strided_slice %add3A_23 {offsets = [0, 1024], sizes = [1, 1024], strides = [1, 1]} : vector<1x4096xf32> to vector<1x1024xf32>
    %dot_general3A_65 = arith.constant dense<0.000000e+00> : vector<256x1024xf32>
    %dot_general3A_66 = tpu.matmul %get3A_1, %slice3A_63, %dot_general3A_65 {dimension_numbers = #tpu.dot_dimension_numbers<[1], [0], [0], [1], [0, 0, 1, 1], [], []>, transpose_lhs_hint = false} : vector<256x8xf32>, vector<8x1024xf32>, vector<256x1024xf32> -> vector<256x1024xf32>
    %add3A_67 = vector.broadcast %add3A_6 : vector<256x1xf32> to vector<256x1024xf32>
    %add3A_68 = vector.broadcast %slice3A_64 : vector<1x1024xf32> to vector<256x1024xf32>
    %add3A_69 = arith.addf %add3A_67, %add3A_68 : vector<256x1024xf32>
    %mul3A_70 = arith.constant 2.000000e+00 : f32
    %mul3A_71 = vector.broadcast %mul3A_70 : f32 to vector<256x1024xf32>
    %mul3A_72 = arith.mulf %mul3A_71, %dot_general3A_66 : vector<256x1024xf32>
    %sub3A_73 = arith.subf %add3A_69, %mul3A_72 : vector<256x1024xf32>
    %slice3A_74 = vector.extract_strided_slice %get3A_12 {offsets = [0, 1024], sizes = [1, 1024], strides = [1, 1]} : vector<1x4096xf32> to vector<1x1024xf32>
    %eq3A_75 = vector.broadcast %get3A_9 : vector<256x1xf32> to vector<256x1024xf32>
    %eq3A_76 = vector.broadcast %slice3A_74 : vector<1x1024xf32> to vector<256x1024xf32>
    %eq3A_77 = arith.cmpf oeq, %eq3A_75, %eq3A_76 : vector<256x1024xf32>
    %jit3A_78 = arith.constant 0x7F800000 : f32
    %broadcast_in_dim3A_79 = vector.broadcast %jit3A_78 : f32 to vector<256x1024xf32>
    %select_n3A_80 = arith.select %eq3A_77, %sub3A_73, %broadcast_in_dim3A_79 : vector<256x1024xi1>, vector<256x1024xf32>
    %reduce_min3A_81 = arith.constant dense<0x7F800000> : vector<256xf32>
    %reduce_min3A_82 = vector.multi_reduction <minimumf>, %select_n3A_80, %reduce_min3A_81 [1] : vector<256x1024xf32> to vector<256xf32>
    %broadcast_in_dim3A_83 = vector.shape_cast %reduce_min3A_82 : vector<256xf32> to vector<256x1xf32>
    %iota3A_84 = tpu.iota {dimensions = array<i32: 1>} : vector<256x1024xi32>
    %eq3A_85 = vector.broadcast %broadcast_in_dim3A_83 : vector<256x1xf32> to vector<256x1024xf32>
    %eq3A_86 = arith.cmpf oeq, %select_n3A_80, %eq3A_85 : vector<256x1024xf32>
    %add3A_87 = arith.constant 1024 : i32
    %add3A_88 = vector.broadcast %add3A_87 : i32 to vector<256x1024xi32>
    %add3A_89 = arith.addi %iota3A_84, %add3A_88 : vector<256x1024xi32>
    %jit3A_90 = arith.constant 4352 : i32
    %broadcast_in_dim3A_91 = vector.broadcast %jit3A_90 : i32 to vector<256x1024xi32>
    %select_n3A_92 = arith.select %eq3A_86, %add3A_89, %broadcast_in_dim3A_91 : vector<256x1024xi1>, vector<256x1024xi32>
    %reduce_min3A_93 = arith.constant dense<2147483647> : vector<256xi32>
    %reduce_min3A_94 = vector.multi_reduction <minsi>, %select_n3A_92, %reduce_min3A_93 [1] : vector<256x1024xi32> to vector<256xi32>
    %broadcast_in_dim3A_95 = vector.shape_cast %reduce_min3A_94 : vector<256xi32> to vector<256x1xi32>
    %bitcast_convert_type3A_96 = tpu.bitcast %broadcast_in_dim3A_83 : vector<256x1xf32> -> vector<256x1xi32>
    %and3A_97 = arith.constant -65536 : i32
    %and3A_98 = vector.broadcast %and3A_97 : i32 to vector<256x1xi32>
    %and3A_99 = arith.andi %bitcast_convert_type3A_96, %and3A_98 : vector<256x1xi32>
    %bitcast_convert_type3A_100 = tpu.bitcast %and3A_99 : vector<256x1xi32> -> vector<256x1xf32>
    %bitcast_convert_type3A_101 = tpu.bitcast %select_n3A_61 : vector<256x1xf32> -> vector<256x1xi32>
    %and3A_102 = arith.constant -65536 : i32
    %and3A_103 = vector.broadcast %and3A_102 : i32 to vector<256x1xi32>
    %and3A_104 = arith.andi %bitcast_convert_type3A_101, %and3A_103 : vector<256x1xi32>
    %bitcast_convert_type3A_105 = tpu.bitcast %and3A_104 : vector<256x1xi32> -> vector<256x1xf32>
    %lt3A_106 = arith.cmpf olt, %bitcast_convert_type3A_100, %bitcast_convert_type3A_105 : vector<256x1xf32>
    %select_n3A_107 = arith.select %lt3A_106, %broadcast_in_dim3A_83, %select_n3A_61 : vector<256x1xi1>, vector<256x1xf32>
    %select_n3A_108 = arith.select %lt3A_106, %broadcast_in_dim3A_95, %select_n3A_62 : vector<256x1xi1>, vector<256x1xi32>
    %slice3A_109 = vector.extract_strided_slice %get3A_15 {offsets = [0, 2048], sizes = [8, 1024], strides = [1, 1]} : vector<8x4096xf32> to vector<8x1024xf32>
    %slice3A_110 = vector.extract_strided_slice %add3A_23 {offsets = [0, 2048], sizes = [1, 1024], strides = [1, 1]} : vector<1x4096xf32> to vector<1x1024xf32>
    %dot_general3A_111 = arith.constant dense<0.000000e+00> : vector<256x1024xf32>
    %dot_general3A_112 = tpu.matmul %get3A_1, %slice3A_109, %dot_general3A_111 {dimension_numbers = #tpu.dot_dimension_numbers<[1], [0], [0], [1], [0, 0, 1, 1], [], []>, transpose_lhs_hint = false} : vector<256x8xf32>, vector<8x1024xf32>, vector<256x1024xf32> -> vector<256x1024xf32>
    %add3A_113 = vector.broadcast %add3A_6 : vector<256x1xf32> to vector<256x1024xf32>
    %add3A_114 = vector.broadcast %slice3A_110 : vector<1x1024xf32> to vector<256x1024xf32>
    %add3A_115 = arith.addf %add3A_113, %add3A_114 : vector<256x1024xf32>
    %mul3A_116 = arith.constant 2.000000e+00 : f32
    %mul3A_117 = vector.broadcast %mul3A_116 : f32 to vector<256x1024xf32>
    %mul3A_118 = arith.mulf %mul3A_117, %dot_general3A_112 : vector<256x1024xf32>
    %sub3A_119 = arith.subf %add3A_115, %mul3A_118 : vector<256x1024xf32>
    %slice3A_120 = vector.extract_strided_slice %get3A_12 {offsets = [0, 2048], sizes = [1, 1024], strides = [1, 1]} : vector<1x4096xf32> to vector<1x1024xf32>
    %eq3A_121 = vector.broadcast %get3A_9 : vector<256x1xf32> to vector<256x1024xf32>
    %eq3A_122 = vector.broadcast %slice3A_120 : vector<1x1024xf32> to vector<256x1024xf32>
    %eq3A_123 = arith.cmpf oeq, %eq3A_121, %eq3A_122 : vector<256x1024xf32>
    %jit3A_124 = arith.constant 0x7F800000 : f32
    %broadcast_in_dim3A_125 = vector.broadcast %jit3A_124 : f32 to vector<256x1024xf32>
    %select_n3A_126 = arith.select %eq3A_123, %sub3A_119, %broadcast_in_dim3A_125 : vector<256x1024xi1>, vector<256x1024xf32>
    %reduce_min3A_127 = arith.constant dense<0x7F800000> : vector<256xf32>
    %reduce_min3A_128 = vector.multi_reduction <minimumf>, %select_n3A_126, %reduce_min3A_127 [1] : vector<256x1024xf32> to vector<256xf32>
    %broadcast_in_dim3A_129 = vector.shape_cast %reduce_min3A_128 : vector<256xf32> to vector<256x1xf32>
    %iota3A_130 = tpu.iota {dimensions = array<i32: 1>} : vector<256x1024xi32>
    %eq3A_131 = vector.broadcast %broadcast_in_dim3A_129 : vector<256x1xf32> to vector<256x1024xf32>
    %eq3A_132 = arith.cmpf oeq, %select_n3A_126, %eq3A_131 : vector<256x1024xf32>
    %add3A_133 = arith.constant 2048 : i32
    %add3A_134 = vector.broadcast %add3A_133 : i32 to vector<256x1024xi32>
    %add3A_135 = arith.addi %iota3A_130, %add3A_134 : vector<256x1024xi32>
    %jit3A_136 = arith.constant 4352 : i32
    %broadcast_in_dim3A_137 = vector.broadcast %jit3A_136 : i32 to vector<256x1024xi32>
    %select_n3A_138 = arith.select %eq3A_132, %add3A_135, %broadcast_in_dim3A_137 : vector<256x1024xi1>, vector<256x1024xi32>
    %reduce_min3A_139 = arith.constant dense<2147483647> : vector<256xi32>
    %reduce_min3A_140 = vector.multi_reduction <minsi>, %select_n3A_138, %reduce_min3A_139 [1] : vector<256x1024xi32> to vector<256xi32>
    %broadcast_in_dim3A_141 = vector.shape_cast %reduce_min3A_140 : vector<256xi32> to vector<256x1xi32>
    %bitcast_convert_type3A_142 = tpu.bitcast %broadcast_in_dim3A_129 : vector<256x1xf32> -> vector<256x1xi32>
    %and3A_143 = arith.constant -65536 : i32
    %and3A_144 = vector.broadcast %and3A_143 : i32 to vector<256x1xi32>
    %and3A_145 = arith.andi %bitcast_convert_type3A_142, %and3A_144 : vector<256x1xi32>
    %bitcast_convert_type3A_146 = tpu.bitcast %and3A_145 : vector<256x1xi32> -> vector<256x1xf32>
    %bitcast_convert_type3A_147 = tpu.bitcast %select_n3A_107 : vector<256x1xf32> -> vector<256x1xi32>
    %and3A_148 = arith.constant -65536 : i32
    %and3A_149 = vector.broadcast %and3A_148 : i32 to vector<256x1xi32>
    %and3A_150 = arith.andi %bitcast_convert_type3A_147, %and3A_149 : vector<256x1xi32>
    %bitcast_convert_type3A_151 = tpu.bitcast %and3A_150 : vector<256x1xi32> -> vector<256x1xf32>
    %lt3A_152 = arith.cmpf olt, %bitcast_convert_type3A_146, %bitcast_convert_type3A_151 : vector<256x1xf32>
    %select_n3A_153 = arith.select %lt3A_152, %broadcast_in_dim3A_129, %select_n3A_107 : vector<256x1xi1>, vector<256x1xf32>
    %select_n3A_154 = arith.select %lt3A_152, %broadcast_in_dim3A_141, %select_n3A_108 : vector<256x1xi1>, vector<256x1xi32>
    %slice3A_155 = vector.extract_strided_slice %get3A_15 {offsets = [0, 3072], sizes = [8, 1024], strides = [1, 1]} : vector<8x4096xf32> to vector<8x1024xf32>
    %slice3A_156 = vector.extract_strided_slice %add3A_23 {offsets = [0, 3072], sizes = [1, 1024], strides = [1, 1]} : vector<1x4096xf32> to vector<1x1024xf32>
    %dot_general3A_157 = arith.constant dense<0.000000e+00> : vector<256x1024xf32>
    %dot_general3A_158 = tpu.matmul %get3A_1, %slice3A_155, %dot_general3A_157 {dimension_numbers = #tpu.dot_dimension_numbers<[1], [0], [0], [1], [0, 0, 1, 1], [], []>, transpose_lhs_hint = false} : vector<256x8xf32>, vector<8x1024xf32>, vector<256x1024xf32> -> vector<256x1024xf32>
    %add3A_159 = vector.broadcast %add3A_6 : vector<256x1xf32> to vector<256x1024xf32>
    %add3A_160 = vector.broadcast %slice3A_156 : vector<1x1024xf32> to vector<256x1024xf32>
    %add3A_161 = arith.addf %add3A_159, %add3A_160 : vector<256x1024xf32>
    %mul3A_162 = arith.constant 2.000000e+00 : f32
    %mul3A_163 = vector.broadcast %mul3A_162 : f32 to vector<256x1024xf32>
    %mul3A_164 = arith.mulf %mul3A_163, %dot_general3A_158 : vector<256x1024xf32>
    %sub3A_165 = arith.subf %add3A_161, %mul3A_164 : vector<256x1024xf32>
    %slice3A_166 = vector.extract_strided_slice %get3A_12 {offsets = [0, 3072], sizes = [1, 1024], strides = [1, 1]} : vector<1x4096xf32> to vector<1x1024xf32>
    %eq3A_167 = vector.broadcast %get3A_9 : vector<256x1xf32> to vector<256x1024xf32>
    %eq3A_168 = vector.broadcast %slice3A_166 : vector<1x1024xf32> to vector<256x1024xf32>
    %eq3A_169 = arith.cmpf oeq, %eq3A_167, %eq3A_168 : vector<256x1024xf32>
    %jit3A_170 = arith.constant 0x7F800000 : f32
    %broadcast_in_dim3A_171 = vector.broadcast %jit3A_170 : f32 to vector<256x1024xf32>
    %select_n3A_172 = arith.select %eq3A_169, %sub3A_165, %broadcast_in_dim3A_171 : vector<256x1024xi1>, vector<256x1024xf32>
    %reduce_min3A_173 = arith.constant dense<0x7F800000> : vector<256xf32>
    %reduce_min3A_174 = vector.multi_reduction <minimumf>, %select_n3A_172, %reduce_min3A_173 [1] : vector<256x1024xf32> to vector<256xf32>
    %broadcast_in_dim3A_175 = vector.shape_cast %reduce_min3A_174 : vector<256xf32> to vector<256x1xf32>
    %iota3A_176 = tpu.iota {dimensions = array<i32: 1>} : vector<256x1024xi32>
    %eq3A_177 = vector.broadcast %broadcast_in_dim3A_175 : vector<256x1xf32> to vector<256x1024xf32>
    %eq3A_178 = arith.cmpf oeq, %select_n3A_172, %eq3A_177 : vector<256x1024xf32>
    %add3A_179 = arith.constant 3072 : i32
    %add3A_180 = vector.broadcast %add3A_179 : i32 to vector<256x1024xi32>
    %add3A_181 = arith.addi %iota3A_176, %add3A_180 : vector<256x1024xi32>
    %jit3A_182 = arith.constant 4352 : i32
    %broadcast_in_dim3A_183 = vector.broadcast %jit3A_182 : i32 to vector<256x1024xi32>
    %select_n3A_184 = arith.select %eq3A_178, %add3A_181, %broadcast_in_dim3A_183 : vector<256x1024xi1>, vector<256x1024xi32>
    %reduce_min3A_185 = arith.constant dense<2147483647> : vector<256xi32>
    %reduce_min3A_186 = vector.multi_reduction <minsi>, %select_n3A_184, %reduce_min3A_185 [1] : vector<256x1024xi32> to vector<256xi32>
    %broadcast_in_dim3A_187 = vector.shape_cast %reduce_min3A_186 : vector<256xi32> to vector<256x1xi32>
    %bitcast_convert_type3A_188 = tpu.bitcast %broadcast_in_dim3A_175 : vector<256x1xf32> -> vector<256x1xi32>
    %and3A_189 = arith.constant -65536 : i32
    %and3A_190 = vector.broadcast %and3A_189 : i32 to vector<256x1xi32>
    %and3A_191 = arith.andi %bitcast_convert_type3A_188, %and3A_190 : vector<256x1xi32>
    %bitcast_convert_type3A_192 = tpu.bitcast %and3A_191 : vector<256x1xi32> -> vector<256x1xf32>
    %bitcast_convert_type3A_193 = tpu.bitcast %select_n3A_153 : vector<256x1xf32> -> vector<256x1xi32>
    %and3A_194 = arith.constant -65536 : i32
    %and3A_195 = vector.broadcast %and3A_194 : i32 to vector<256x1xi32>
    %and3A_196 = arith.andi %bitcast_convert_type3A_193, %and3A_195 : vector<256x1xi32>
    %bitcast_convert_type3A_197 = tpu.bitcast %and3A_196 : vector<256x1xi32> -> vector<256x1xf32>
    %lt3A_198 = arith.cmpf olt, %bitcast_convert_type3A_192, %bitcast_convert_type3A_197 : vector<256x1xf32>
    %select_n3A_199 = arith.select %lt3A_198, %broadcast_in_dim3A_187, %select_n3A_154 : vector<256x1xi1>, vector<256x1xi32>
    %swap3A = arith.constant 0 : index
    %swap3A_200 = arith.constant 0 : index
    %swap3A_201 = vector.load %arg10[%swap3A, %swap3A_200] : memref<256x1xi32, #tpu.memory_space<vmem>>, vector<256x1xi32>
    tpu.vector_store %arg10[%swap3A, %swap3A_200], %select_n3A_199 {strides = array<i32>} : memref<256x1xi32, #tpu.memory_space<vmem>>, vector<256x1xi32>,
    %get3A_202 = arith.constant 0 : index
    %get3A_203 = arith.constant 0 : index
    %get3A_204 = vector.load %arg5[%get3A_202, %get3A_203] : memref<136x128xf32, #tpu.memory_space<vmem>>, vector<136x128xf32>
    %get3A_205 = arith.constant 0 : index
    %get3A_206 = arith.constant 0 : index
    %get3A_207 = vector.load %arg6[%get3A_205, %get3A_206] : memref<128x64xf32, #tpu.memory_space<vmem>>, vector<128x64xf32>
    %dot_general3A_208 = arith.constant dense<0.000000e+00> : vector<136x64xf32>
    %dot_general3A_209 = tpu.matmul %get3A_204, %get3A_207, %dot_general3A_208 {dimension_numbers = #tpu.dot_dimension_numbers<[1], [0], [0], [1], [0, 0, 1, 1], [], []>, transpose_lhs_hint = false} : vector<136x128xf32>, vector<128x64xf32>, vector<136x64xf32> -> vector<136x64xf32>
    %get3A_210 = arith.constant 0 : index
    %get3A_211 = arith.constant 0 : index
    %get3A_212 = vector.load %arg7[%get3A_210, %get3A_211] : memref<1x64xf32, #tpu.memory_space<vmem>>, vector<1x64xf32>
    %add3A_213 = vector.broadcast %get3A_212 : vector<1x64xf32> to vector<136x64xf32>
    %add3A_214 = arith.addf %dot_general3A_209, %add3A_213 : vector<136x64xf32>
    %max3A = arith.constant 0.000000e+00 : f32
    %max3A_215 = vector.broadcast %max3A : f32 to vector<136x64xf32>
    %max3A_216 = arith.maximumf %add3A_214, %max3A_215 : vector<136x64xf32>
    %get3A_217 = arith.constant 0 : index
    %get3A_218 = arith.constant 0 : index
    %get3A_219 = vector.load %arg8[%get3A_217, %get3A_218] : memref<64x1xf32, #tpu.memory_space<vmem>>, vector<64x1xf32>
    %dot_general3A_220 = arith.constant dense<0.000000e+00> : vector<136x1xf32>
    %dot_general3A_221 = tpu.matmul %max3A_216, %get3A_219, %dot_general3A_220 {dimension_numbers = #tpu.dot_dimension_numbers<[1], [0], [0], [1], [0, 0, 1, 1], [], []>, transpose_lhs_hint = false} : vector<136x64xf32>, vector<64x1xf32>, vector<136x1xf32> -> vector<136x1xf32>
    %get3A_222 = arith.constant 0 : index
    %get3A_223 = arith.constant 0 : index
    %get3A_224 = vector.load %arg9[%get3A_222, %get3A_223] : memref<1x1xf32, #tpu.memory_space<vmem>>, vector<1x1xf32>
    %add3A_225 = vector.broadcast %get3A_224 : vector<1x1xf32> to vector<136x1xf32>
    %add3A_226 = arith.addf %dot_general3A_221, %add3A_225 : vector<136x1xf32>
    %swap3A_227 = arith.constant 0 : index
    %swap3A_228 = arith.constant 0 : index
    %swap3A_229 = vector.load %arg11[%swap3A_227, %swap3A_228] : memref<136x1xf32, #tpu.memory_space<vmem>>, vector<136x1xf32>
    tpu.vector_store %arg11[%swap3A_227, %swap3A_228], %add3A_226 {strides = array<i32>} : memref<136x1xf32, #tpu.memory_space<vmem>>, vector<136x1xf32>,
    return
  }
  func.func @transform_0(%arg0: i32) -> (i32, i32) {
    %c0_i32 = arith.constant 0 : i32
    %c0_i32_0 = arith.constant 0 : i32
    return %arg0, %c0_i32 : i32, i32
  }
  func.func @transform_1(%arg0: i32) -> (i32, i32) {
    %c0_i32 = arith.constant 0 : i32
    %c0_i32_0 = arith.constant 0 : i32
    return %arg0, %c0_i32 : i32, i32
  }
  func.func @transform_2(%arg0: i32) -> (i32, i32) {
    %c0_i32 = arith.constant 0 : i32
    %c0_i32_0 = arith.constant 0 : i32
    %c0_i32_1 = arith.constant 0 : i32
    return %c0_i32, %c0_i32_0 : i32, i32
  }
  func.func @transform_3(%arg0: i32) -> (i32, i32) {
    %c0_i32 = arith.constant 0 : i32
    %c0_i32_0 = arith.constant 0 : i32
    %c0_i32_1 = arith.constant 0 : i32
    return %c0_i32, %c0_i32_0 : i32, i32
  }
  func.func @transform_4(%arg0: i32) -> (i32, i32) {
    %c0_i32 = arith.constant 0 : i32
    %c0_i32_0 = arith.constant 0 : i32
    return %arg0, %c0_i32 : i32, i32
  }
  func.func @transform_5(%arg0: i32) -> (i32, i32) {
    %c0_i32 = arith.constant 0 : i32
    %c0_i32_0 = arith.constant 0 : i32
    %c0_i32_1 = arith.constant 0 : i32
    return %c0_i32, %c0_i32_0 : i32, i32
  }
  func.func @transform_6(%arg0: i32) -> (i32, i32) {
    %c0_i32 = arith.constant 0 : i32
    %c0_i32_0 = arith.constant 0 : i32
    %c0_i32_1 = arith.constant 0 : i32
    return %c0_i32, %c0_i32_0 : i32, i32
  }
  func.func @transform_7(%arg0: i32) -> (i32, i32) {
    %c0_i32 = arith.constant 0 : i32
    %c0_i32_0 = arith.constant 0 : i32
    %c0_i32_1 = arith.constant 0 : i32
    return %c0_i32, %c0_i32_0 : i32, i32
  }
  func.func @transform_8(%arg0: i32) -> (i32, i32) {
    %c0_i32 = arith.constant 0 : i32
    %c0_i32_0 = arith.constant 0 : i32
    %c0_i32_1 = arith.constant 0 : i32
    return %c0_i32, %c0_i32_0 : i32, i32
  }
  func.func @transform_9(%arg0: i32) -> (i32, i32) {
    %c0_i32 = arith.constant 0 : i32
    %c0_i32_0 = arith.constant 0 : i32
    return %arg0, %c0_i32 : i32, i32
  }
  func.func @transform_10(%arg0: i32) -> (i32, i32) {
    %c0_i32 = arith.constant 0 : i32
    %c0_i32_0 = arith.constant 0 : i32
    return %arg0, %c0_i32 : i32, i32
  }
}

</mosaic_0001>

<sc_bundles>
// kernel: kernel.4.cloned.1.call-start
scs
__scs_entry_jumppad:
0x0: {  	(pc) =	sbr.rel $0x88, $3  }
0x1: {  	(tag) =	ssettag $0x0;
	lr =	simm.s32 $0x1  }
0x2: {  	[smem:$0x3F98] =	sst lr;
	_ =	strace $0xD0000000  }
0x3: {  	_ = 	snop  }
0x4: {  	_ = 	snop  }
0x5: {  	_ = 	snop  }
0x6: {  	_ = 	snop  }
0x7: {  	_ = 	snop  }
__scs_overlays_trampoline_lowered:
0x8: {  	[smem:$0x3FA7] =	sst s0  }
0x9: {  	[smem:$0x3FA8] =	sst s1  }
0xa: {  	[smem:$0x3FA9] =	sst s2  }
0xb: {  	[smem:$0x3FAA] =	sst s3  }
0xc: {  	[smem:$0x3FAB] =	sst s4  }
0xd: {  	[smem:$0x3FAC] =	sst s5  }
0xe: {  	[smem:$0x3FAD] =	sst s6  }
0xf: {  	[smem:$0x3FAE] =	sst s7  }
0x10: {  	[smem:$0x3FAF] =	sst s8  }
0x11: {  	[smem:$0x3FB0] =	sst s9;
	s0 =	simm.s32 @!p0 $0x0  }
0x12: {  	s1 =	sld [smem:$0x3F96];
	s0 =	simm.s32 @p0 $0x1  }
0x13: {  	[smem:$0x3FB1] =	sst s0;
	s0 =	simm.s32 @!p1 $0x0  }
0x14: {  	s2 =	sld [smem:$0x3F95];
	s0 =	simm.s32 @p1 $0x1  }
0x15: {  	[smem:$0x3FB2] =	sst s0;
	s0 =	simm.s32 @!p2 $0x0  }
0x16: {  	s3 =	sld [smem:$0x3FDB];
	s0 =	simm.s32 @p2 $0x1  }
0x17: {  	s4 =	simm.s32 $0x1BF5;
	[smem:$0x3FB4] =	sst s0  }
0x18: {  	s0 =	sld [smem:$0x3F97];
	_ =	swait.ge [sflag:s4], $0x0  }
0x19: {  	s7 =	sld [smem:$0x3F98]  }
0x1a: {  	s8 =	sadd.s32 $0xFFFFE003, lr  }
0x1b: {  	s9 =	sadd.s32 $0xFFFFFEF7, lr;
	s5 =	simm.s32 $0xFFFFFFFF;
	p2 =	slt.u32 s8, $0xFFFFF086  }
0x1c: {  	p1 =	slt.u32 s9, $0xF7A;
	s5 =	simm.s32 @!p2 $0x0  }
0x1d: {  	s5 =	simm.s32 @p1 $0x1;
	p0 =	seq.s32 s7, s2  }
0x1e: {  	s7 =	smul.u32 @!p0 $0xF7A, s2;
	p2 =	seq.s32 @!p0 s5, $0x0  }
0x1f: {  	s9 =	smul.u32 $0xF7A, s1;
	s8 =	simm.s32 @!p0 $0x1BF5;
	p2 =	por !p2, p0  }
0x20: {  	[sflag:s8] =	ssyncset.s32 @!p0 $0xFFFFF086;
	s6 =	sadd.s32 @!p0 s3, s7;
	s7 =	simm.s32 @!p0 $0x108  }
0x21: {  	s3 =	sadd.s32 s3, s9;
	s6 =	sadd.s32 @!p0 $0x88, s6;
	s7 =	simm.s32 @p2 $0x1082  }
0x22: {  	[simem:s7], [sflag:s8] =	dma.local @!p0 [hbm:s6], $0xF7A  }
0x23: {  	s9 =	sor.u32 $0xD0000000, s2;
	s6 =	simm.s32 $0x108;
	_ =	swait.ge @!p0 [sflag:s8], $0x0  }
0x24: {  	s3 =	sadd.s32 $0x88, s3;
	s6 =	simm.s32 @!p1 $0x1082;
	[sflag:s4] =	ssyncset.s32 $0xFFFFF086  }
0x25: {  	[simem:s6], [sflag:s4] =	dma.local [hbm:s3], $0xF7A  }
0x26: {  	[smem:$0x3F98] =	sst s1;
	(tag) =	ssettag s2;
	_ =	strace s9  }
0x27: {  	s1 =	sld [smem:$0x3FA8]  }
0x28: {  	s2 =	sld [smem:$0x3FA9]  }
0x29: {  	s4 =	sld [smem:$0x3FAB]  }
0x2a: {  	p0 =	seq.s32 s5, $0x0;
	s5 =	sld [smem:$0x3FAC]  }
0x2b: {  	s6 =	sld [smem:$0x3FAD]  }
0x2c: {  	s7 =	sld [smem:$0x3FAE]  }
0x2d: {  	s3 =	simm.s32 $0x108;
	s8 =	sld [smem:$0x3FAF]  }
0x2e: {  	s3 =	simm.s32 @!p0 $0x1082;
	s9 =	sld [smem:$0x3FB0]  }
0x2f: {  	lr =	sadd.s32 s0, s3;
	s0 =	sld [smem:$0x3FA7]  }
0x30: {  	s3 =	sld [smem:$0x3FAA]  }
0x31: {  	[smem:$0x3FB3] =	sst s10  }
0x32: {  	s10 =	sld [smem:$0x3FB1];
	_ =	sdelay $0x3  }
0x33: {  	p0 =	seq.s32 s10, $0x1;
	s10 =	sld [smem:$0x3FB3];
	_ =	sdelay $0x3  }
0x34: {  	[smem:$0x3FB3] =	sst s10  }
0x35: {  	s10 =	sld [smem:$0x3FB2];
	_ =	sdelay $0x3  }
0x36: {  	p1 =	seq.s32 s10, $0x1;
	s10 =	sld [smem:$0x3FB3];
	_ =	sdelay $0x3  }
0x37: {  	[smem:$0x3FB3] =	sst s10  }
0x38: {  	s10 =	sld [smem:$0x3FB4]  }
0x39: {  	_ = 	snop;
	(pc) =	sbr.ind lr, $3  }
0x3a: {  	_ = 	snop  }
0x3b: {  	_ = 	snop  }
0x3c: {  	p2 =	seq.s32 s10, $0x1;
	s10 =	sld [smem:$0x3FB3]  }
0x3d: {  	_ =	shalt  }
0x3e: {  	_ =	shalt  }
0x3f: {  	_ =	shalt  }
0x40: {  	_ =	shalt  }
0x41: {  	_ =	shalt  }
0x42: {  	_ =	shalt  }
0x43: {  	_ =	shalt  }
0x44: {  	_ =	shalt  }
0x45: {  	_ =	shalt  }
0x46: {  	_ =	shalt  }
0x47: {  	_ =	shalt  }
0x48: {  	_ =	shalt  }
0x49: {  	_ =	shalt  }
0x4a: {  	_ =	shalt  }
0x4b: {  	_ =	shalt  }
0x4c: {  	_ =	shalt  }
0x4d: {  	_ =	shalt  }
0x4e: {  	_ =	shalt  }
0x4f: {  	_ =	shalt  }
0x50: {  	_ =	shalt  }
0x51: {  	_ =	shalt  }
0x52: {  	_ =	shalt  }
0x53: {  	_ =	shalt  }
0x54: {  	_ =	shalt  }
0x55: {  	_ =	shalt  }
0x56: {  	_ =	shalt  }
0x57: {  	_ =	shalt  }
0x58: {  	_ =	shalt  }
0x59: {  	_ =	shalt  }
0x5a: {  	_ =	shalt  }
0x5b: {  	_ =	shalt  }
0x5c: {  	_ =	shalt  }
0x5d: {  	_ =	shalt  }
0x5e: {  	_ =	shalt  }
0x5f: {  	_ =	shalt  }
0x60: {  	_ =	shalt  }
0x61: {  	_ =	shalt  }
0x62: {  	_ =	shalt  }
0x63: {  	_ =	shalt  }
0x64: {  	_ =	shalt  }
0x65: {  	_ =	shalt  }
0x66: {  	_ =	shalt  }
0x67: {  	_ =	shalt  }
0x68: {  	_ =	shalt  }
0x69: {  	_ =	shalt  }
0x6a: {  	_ =	shalt  }
0x6b: {  	_ =	shalt  }
0x6c: {  	_ =	shalt  }
0x6d: {  	_ =	shalt  }
0x6e: {  	_ =	shalt  }
0x6f: {  	_ =	shalt  }
0x70: {  	_ =	shalt  }
0x71: {  	_ =	shalt  }
0x72: {  	_ =	shalt  }
0x73: {  	_ =	shalt  }
0x74: {  	_ =	shalt  }
0x75: {  	_ =	shalt  }
0x76: {  	_ =	shalt  }
0x77: {  	_ =	shalt  }
0x78: {  	_ =	shalt  }
0x79: {  	_ =	shalt  }
0x7a: {  	_ =	shalt  }
0x7b: {  	_ =	shalt  }
0x7c: {  	_ =	shalt  }
0x7d: {  	_ =	shalt  }
0x7e: {  	_ =	shalt  }
0x7f: {  	_ =	shalt  }
0x80: {  	_ =	shalt  }
0x81: {  	_ =	shalt  }
0x82: {  	_ =	shalt  }
0x83: {  	_ =	shalt  }
0x84: {  	_ =	shalt  }
0x85: {  	_ =	shalt  }
0x86: {  	_ =	shalt  }
0x87: {  	_ =	shalt  }
.Lfunc_end0:
.L_simem_size_0:
called_computation_lowered:
.L_overlay_start_0:
0x88: {  	s2 =	sld [smem:$0x3FD9]  }
0x89: {  	s3 =	sld [smem:$0x3FFE];
	_ =	sdelay $0x1  }
0x8a: {  	s1 =	srdreg.scid  }
0x8b: {  	s0 =	sand.u32 $0x1, s1  }
0x8c: {  	s17 =	sshll.u32 s0, $0xA;
	s2 =	sadd.s32 s3, s2  }
0x8d: {  	s2 =	sadd.s32 s2, s17  }
0x8e: {  	[smem:$0x3FBF] =	sst s2  }
0x8f: {  	_ = 	snop  }
0x90: {  	s2 =	sld [smem:$0x3FD0];
	(tm) =	ssettm $0x1  }
0x91: {  	s18 =	sld [smem:$0x3FFB];
	_ =	sdelay $0x3  }
0x92: {  	_ =	strace s18  }
0x93: {  	s3 =	sld [smem:$0x3FFC];
	_ =	sdelay $0x3  }
0x94: {  	_ =	strace s3  }
0x95: {  	s3 =	sld [smem:$0x3FFD];
	_ =	sdelay $0x3  }
0x96: {  	_ =	strace s3  }
0x97: {  	_ =	strace $0x8FFFFFFF  }
0x98: {  	s19 =	sld [smem:$0x3FDB];
	_ =	sdelay $0x1  }
0x99: {  	s4 =	simm.s32 $_scs_section_size  }
0x9a: {  	s5 =	simm.s32 $_size__tile_overlayer_lowered;
	s6 =	simm.s32 $_tile_overlayer_lowered  }
0x9b: {  	s22 =	simm.s32 $0x1BFF;
	s21 =	sshll.u32 s6, $0x1;
	s3 =	sadd.s32 s4, s19  }
0x9c: {  	s7 =	simm.s32 $0x0;
	s20 =	sshll.u32 s5, $0x1;
	s5 =	sadd.s32 s21, s3  }
0x9d: {  	[timem:s7], [sflag:s22] =	dma.local [hbm:s5], s20  }
0x9e: {  	_ =	swait.ge [sflag:s22], s20  }
0x9f: {  	s4 =	ssub.s32 $0x0, s20;
	[sflag:s22] =	ssyncset.done $0x0  }
0xa0: {  	[sflag:s22] =	ssyncadd.s32 s4;
	_ =	sdelay $0x1  }
0xa1: {  	s23 =	simm.s32 $0x1B8B  }
0xa2: {  	_ =	swait.ge [sflag:s23], $0x1  }
0xa3: {  	[sflag:s23] =	ssyncset.done $0x0  }
0xa4: {  	s25 =	simm.s32 $0x1B8E;
	s24 =	sld [smem:$0x3FFE];
	[sflag:s23] =	ssyncadd.s32 $0xFFFFFFFF  }
0xa5: {  	s26 =	simm.s32 $execute0_lowered;
	[smem:$0x3FD2] =	sst s25  }
0xa6: {  	s5 =	sshll.u32 s26, $0x1;
	_ =	strace $0x80000046;
	[dreg:$0x1] =	wrdreg $0xFFFFFFFF  }
0xa7: {  	s28 =	simm.s32 $_size_execute0_lowered;
	s3 =	sadd.s32 s3, s5;
	[dreg:$0x0] =	wrdreg $0x0  }
0xa8: {  	s5 =	sshll.u32 s28, $0x1;
	[dreg:$0x2] =	wrdreg s3  }
0xa9: {  	[dreg:$0x3] =	wrdreg s5  }
0xaa: {  	[dreg:$0x4] =	wrdreg $0xC0  }
0xab: {  	_ =	task [dreg:s7], $0x5FFFF  }
0xac: {  	[dreg:$0x1] =	wrdreg $0xFFFFFFFF  }
0xad: {  	[dreg:$0x0] =	wrdreg $0x60  }
0xae: {  	[dreg:$0x2] =	wrdreg s24  }
0xaf: {  	[dreg:$0x3] =	wrdreg s2  }
0xb0: {  	[dreg:$0x4] =	wrdreg $0x9  }
0xb1: {  	_ =	task.clear_ibuf [dreg:s7], $0x5FFFF;
	_ =	strace $0x90000046  }
0xb2: {  	s29 =	simm.s32 $0x9;
	_ =	strace $0x80000048  }
0xb3: {  	_ =	swait.ge [sflag:s29], $0x1  }
0xb4: {  	[sflag:s29] =	ssyncadd.s32 $0xFFFFFFFF  }
0xb5: {  	_ =	strace $0x90000048  }
0xb6: {  	_ =	sfence  }
0xb7: {  	s30 =	sld [smem:$0x0];
	_ =	sdelay $0x2  }
0xb8: {  	s31 =	sshll.u32 s1, $0xD;
	s1 =	sshrl.u32 s1, $0x2  }
0xb9: {  	s3 =	sand.u32 $0x4000, s31;
	s1 =	sadd.s32 s1, s30  }
0xba: {  	s0 =	sor.u32 s3, s0;
	s1 =	sshll.u32 s1, $0x11  }
0xbb: {  	s0 =	sor.u32 s1, s0  }
0xbc: {  	s0 =	sadd.s32 $0x8F2B, s0  }
0xbd: {  	[sflag:s0] =	ssyncadd.remote.s32 $0x1  }
0xbe: {  	_ =	sfence.sel $0xFFFF  }
0xbf: {  	[dreg:$0x0] =	wrdreg $0xFFFFFFFF;
	(pc) =	sbr.abs _section_cstart, $3  }
0xc0: {  	[dreg:$0x1] =	wrdreg $0xFFFFFFFF  }
0xc1: {  	_ =	task.clear_ibuf [dreg:s7], $0x2FFFF;
	_ =	strace $0x9FFFFFFF  }
0xc2: {  	(tm) =	ssettm $0x7FFFFFFF  }
0xc3: {  	_ =	shalt  }
tec
execute0_lowered:
.L_overlay_start_1:
0x0: {  	(tag) =	ssettag $0x1  }
0x1: {  	s1 =	srdreg.scid  }
0x2: {  	s2 =	rddreg [dreg:$0x0];
	s0 =	stileid.u32;
	s10 =	sand.u32 $0x1, s1  }
0x3: {  	s11 =	rddreg [dreg:$0x1];
	s4 =	sshll.u32 s0, $0x6;
	s5 =	sshll.u32 s10, $0x5  }
0x4: {  	s3 =	simm.s32 $0x0;
	s1 =	rddreg [dreg:$0x2];
	s12 =	sor.u32 s5, s4  }
0x5: {  	[smem:$0x7FF] =	sst s3;
	s4 =	sadd.s32 s12, s2  }
0x6: {  	_ =	strace $0x80000047;
	s5 =	sadd.s32 $0x400, s4;
	s4 =	simm.s32 $0x2  }
0x7: {  	[tilespmem:s3], [sflag:$0x2] =	stream.linear.gather [hbm4b:s5+s3], $0x100, $0x38;
	[tilespmem:$0x200] =	vst v63  }
0x8: {  	_ =	swait.ge [sflag:s4], $0x100  }
0x9: {  	[sflag:s4] =	ssyncset.done $0x0  }
0xa: {  	s6 =	simm.s32 $0x80;
	s7 =	simm.s32 $0x100;
	[sflag:s4] =	ssyncadd.s32 $0xFFFFFF00  }
0xb: {  	[tilespmem:s7], [sflag:$0x1] =	stream.indirect.gather [hbm4b:s2+s6], $0x1, s3, s6, $0xb8;
	[tilespmem:$0x200] =	vst v63  }
0xc: {  	s8 =	simm.s32 $0x180;
	s9 =	simm.s32 $0x1;
	s10 =	ssub.s32 $0x2, s10  }
0xd: {  	[tilespmem:s8], [sflag:$0x1] =	stream.indirect.gather [hbm4b:s2+s6], $0x1, s6, s6, $0xb8;
	[tilespmem:$0x200] =	vst v63  }
0xe: {  	s13 =	sshrl.u32 s10, $0x1;
	_ =	swait.ge [sflag:s9], $0x80  }
0xf: {  	s13 =	ssub.s32 s10, s13;
	[sflag:s9] =	ssyncset.done $0x0  }
0x10: {  	s31 =	smax.u32 s13, $0x1;
	[sflag:s9] =	ssyncadd.s32 $0xFFFFFF80  }
0x11: {  	p0 =	sne.s32 s31, $0x1;
	_ =	swait.ge [sflag:s9], $0x80  }
.Ltmp0:
0x12: {  	[sflag:s9] =	ssyncset.done $0x0;
	(pc) =	sbr.rel @!p0 .LBB2_2-.Ltmp0, $4  }
0x13: {  	s10 =	sadd.s32 s11, s12;
	[sflag:s9] =	ssyncadd.s32 $0xFFFFFF80  }
0x14: {  	[hbm4b:s10+s3] =	stream.linear.scatter [tilespmem:s7], [sflag:$0x2], $0x100, $0x38;
	[tilespmem:$0x200] =	vst v63  }
0x15: {  	_ =	swait.ge [sflag:s4], $0x100  }
0x16: {  	s11 =	sadd.s32 $0xFFFFFFFF, s31;
	[sflag:s4] =	ssyncset.done $0x0  }
.LBB2_1:
0x17: {  	p0 =	sne.s32 s11, $0x1;
	s11 =	sadd.s32 $0xFFFFFFFF, s11;
	[sflag:s4] =	ssyncadd.s32 $0xFFFFFF00  }
0x18: {  	[tilespmem:s3], [sflag:$0x2] =	stream.linear.gather [hbm4b:s5+s3], $0x100, $0x38;
	[tilespmem:$0x200] =	vst v63  }
0x19: {  	_ =	swait.ge [sflag:s4], $0x100  }
0x1a: {  	[sflag:s4] =	ssyncset.done $0x0  }
0x1b: {  	[sflag:s4] =	ssyncadd.s32 $0xFFFFFF00  }
0x1c: {  	[tilespmem:s7], [sflag:$0x1] =	stream.indirect.gather [hbm4b:s2+s6], $0x1, s3, s6, $0xb8;
	[tilespmem:$0x200] =	vst v63  }
0x1d: {  	_ = 	snop  }
0x1e: {  	[tilespmem:s8], [sflag:$0x1] =	stream.indirect.gather [hbm4b:s2+s6], $0x1, s6, s6, $0xb8;
	[tilespmem:$0x200] =	vst v63  }
0x1f: {  	_ =	swait.ge [sflag:s9], $0x80  }
0x20: {  	[sflag:s9] =	ssyncset.done $0x0  }
0x21: {  	[sflag:s9] =	ssyncadd.s32 $0xFFFFFF80  }
0x22: {  	_ =	swait.ge [sflag:s9], $0x80  }
.Ltmp1:
0x23: {  	[sflag:s9] =	ssyncset.done $0x0;
	(pc) =	sbr.rel @p0 .LBB2_1-.Ltmp1, $4  }
0x24: {  	[sflag:s9] =	ssyncadd.s32 $0xFFFFFF80  }
0x25: {  	[hbm4b:s10+s3] =	stream.linear.scatter [tilespmem:s7], [sflag:$0x2], $0x100, $0x38;
	[tilespmem:$0x200] =	vst v63  }
0x26: {  	_ =	swait.ge [sflag:s4], $0x100  }
0x27: {  	[sflag:s4] =	ssyncset.done $0x0  }
.LBB2_2:
0x28: {  	[sflag:s4] =	ssyncadd.s32 $0xFFFFFF00  }
0x29: {  	_ =	sfence.sel $0x180000  }
0x2a: {  	[bflag:$0x0] =	sbarrier.arrive $0xFFFF  }
0x2b: {  	p0 =	sne.s32 s0, $0x0;
	_ =	strace $0x90000047  }
0x2c: {  	s0 =	sadd.s32 @!p0 $0x100000, s1;
	[bflag:$0x2] =	sbarrier.arrive $0xFFFF  }
0x2d: {  	[sflag:s0] =	ssyncadd.tile.s32 @!p0 $0x1;
	_ =	shalt  }
.Lfunc_end2:
_tile_overlayer_lowered:
.L_overlay_start_2:
0x2e: {  	(tag) =	ssettag $0x2  }
0x2f: {  	s0 =	rddreg [dreg:$0x0];
	s2 =	stileid.u32  }
0x30: {  	s1 =	rddreg [dreg:$0x1];
	p0 =	sne.s32 s2, $0x0  }
0x31: {  	s3 =	rddreg [dreg:$0x2];
	[bflag:$0x3] =	sbarrier.arrive $0xFFFF;
	s2 =	simm.s32 @!p0 $0x1C02  }
0x32: {  	[timem:s3], [sflag:s2] =	dma.local @!p0 [hbm:s0], s1  }
0x33: {  	s0 =	simm.s32 @!p0 $0x2  }
0x34: {  	_ =	swait.ge @!p0 [sflag:s0], s1  }
0x35: {  	s1 =	ssub.s32 @!p0 $0x0, s1;
	[sflag:s0] =	ssyncset.done @!p0 $0x0  }
0x36: {  	[sflag:s0] =	ssyncadd.s32 @!p0 s1  }
0x37: {  	[bflag:$0x3] =	sbarrier.arrive $0xFFFF  }
0x38: {  	_ =	shalt  }

</sc_bundles>
